<compile_context>
chip_gen: v7x
topology: tpu7x:2x2x1
jax: 0.10.2.dev20260603
libtpu: 0.0.44.dev20260713+nightly
codegen_flags: <defaults>
</compile_context>

<pallas_src>
import functools

import jax
import jax.numpy as jnp
from jax import lax
from jax.experimental import pallas as pl
from jax.experimental.pallas import tpu as pltpu
from jax.experimental.pallas import tpu_sc as plsc

_B = 4096
_R = 128
_L = 1000
_LP = 1024


def _tc_prep(params, resid):

    def body(resid_ref, p_ref, tld_ref):
        r = resid_ref[0, 0]
        x = p_ref[:, 0:1]
        y = p_ref[:, 1:2]
        z = -jnp.abs(p_ref[:, 2:3])
        inv = 1.0 / jnp.maximum(jnp.sqrt(x * x + y * y + z * z), 1e-12)
        bc = lambda v: jnp.broadcast_to(v[:, :, None], (_LP, 1, _R))
        xb, yb, zb = bc(x * inv), bc(y * inv), bc(z * inv)
        tld_ref[...] = jnp.concatenate([xb, yb, zb, zb], axis=1) + r

    return pl.pallas_call(
        body,
        in_specs=[
            pl.BlockSpec(memory_space=pltpu.SMEM),
            pl.BlockSpec((_LP, 4), lambda: (0, 0)),
        ],
        out_specs=pl.BlockSpec((_LP, 4, _R), lambda: (0, 0, 0)),
        out_shape=jax.ShapeDtypeStruct((_LP, 4, _R), jnp.float32),
    )(resid, params)


def _sc_gather_expanded(t_ld, idx):
    info = plsc.get_sparse_core_info()
    nc, ns = info.num_cores, info.num_subcores
    nw = nc * ns
    b_per_w = _B // nw
    rows_per_s = _LP // ns

    mesh = plsc.VectorSubcoreMesh(core_axis_name="c", subcore_axis_name="s")

    @functools.partial(
        pl.kernel,
        mesh=mesh,
        out_type=jax.ShapeDtypeStruct((_B, 4, _R), jnp.float32),
        scratch_types=[
            pltpu.VMEM((b_per_w,), jnp.int32),
            pltpu.VMEM((b_per_w, 4, _R), jnp.float32),
            pltpu.VMEM_SHARED((_LP, 4, _R), jnp.float32),
            pltpu.SemaphoreType.DMA,
        ],
    )
    def gather_kernel(tld_hbm, idx_hbm, old_hbm, idx_v, rows_v, tab_s, sem):
        cid = lax.axis_index("c")
        sid = lax.axis_index("s")
        base = (sid * nc + cid) * b_per_w
        srow = sid * rows_per_s
        pltpu.sync_copy(tld_hbm.at[pl.ds(srow, rows_per_s)],
                        tab_s.at[pl.ds(srow, rows_per_s)])
        pltpu.sync_copy(idx_hbm.at[pl.ds(base, b_per_w)], idx_v)
        plsc.subcore_barrier()
        pltpu.async_copy(tab_s.at[idx_v], rows_v, sem).wait()
        pltpu.sync_copy(rows_v, old_hbm.at[pl.ds(base, b_per_w)])

    return gather_kernel(t_ld, idx)


def _tc_intensity(idx_col, li_pad, resid):
    blk = 1024
    grid = (_B // blk,)

    def body(resid_ref, idx_ref, li_ref, out_ref):
        r = resid_ref[0, 0]
        iv = jnp.broadcast_to(idx_ref[...], (blk, _LP))
        onehot = jnp.where(
            iv == lax.broadcasted_iota(jnp.int32, (blk, _LP), 1),
            1.0, 0.0).astype(jnp.bfloat16)
        ia = jnp.abs(li_ref[...])
        hi = ia.astype(jnp.bfloat16)
        lo = (ia - hi.astype(jnp.float32)).astype(jnp.bfloat16)
        dims = (((1,), (0,)), ((), ()))
        g = (lax.dot_general(onehot, jnp.broadcast_to(hi, (_LP, _R)), dims,
                             preferred_element_type=jnp.float32)
             + lax.dot_general(onehot, jnp.broadcast_to(lo, (_LP, _R)), dims,
                               preferred_element_type=jnp.float32))
        out_ref[...] = jnp.broadcast_to(g[:, None, :], (blk, 4, _R)) + r

    return pl.pallas_call(
        body,
        grid=grid,
        in_specs=[
            pl.BlockSpec(memory_space=pltpu.SMEM),
            pl.BlockSpec((blk, 1), lambda i: (i, 0)),
            pl.BlockSpec((_LP, 1), lambda i: (0, 0)),
        ],
        out_specs=pl.BlockSpec((blk, 4, _R), lambda i: (i, 0, 0)),
        out_shape=jax.ShapeDtypeStruct((_B, 4, _R), jnp.float32),
    )(resid, idx_col, li_pad)


def _to_logical(o):
    o = o.transpose(0, 2, 1)
    return o.reshape(_B * _R, 4)[:, :3]


def kernel(light_direction_xy, light_direction_z, light_intensity, idx, num_rays):
    idx32 = idx.astype(jnp.int32)
    resid = (jnp.asarray(num_rays, jnp.float32) - _R).reshape(1, 1)

    params = jnp.pad(
        jnp.concatenate([light_direction_xy, light_direction_z], axis=1),
        ((0, _LP - _L), (0, 1)))
    t_ld = _tc_prep(params, resid)
    o_ld = _sc_gather_expanded(t_ld, idx32)

    idx_col = idx32.reshape(_B, 1)
    li_pad = jnp.pad(light_intensity, ((0, _LP - _L), (0, 0)))
    o_li = _tc_intensity(idx_col, li_pad, resid)

    return (_to_logical(o_ld), _to_logical(o_li))

# --- scband reference (transcript-rebuilt; emitter-appended) ---
"""Pipeline reference for scband-para-light-24068996726924 (READ-ONLY COPY).

The authoritative reference and input builder live on the scoring server;
editing this copy changes nothing except your own understanding.
"""

import jax, jax.numpy as jnp
import numpy as np

L = 1000
B = 4096
NUM_RAYS = 128


def setup_inputs(seed: int = 0) -> dict:
    key = jax.random.key(seed)
    k1, k2, k3, k4 = jax.random.split(key, 4)
    # Learned parameters derived from light_init = (light_dirs[L,3], light_intensity[L,3]):
    #   light_direction_xy = light_init[0][:, :-1]  -> [L, 2]
    #   light_direction_z  = light_init[0][:, -1:]  -> [L, 1]
    #   light_intensity    = light_init[1].mean(-1, keepdims=True) -> [L, 1]
    light_direction_xy = jax.random.normal(k1, (L, 2), dtype=jnp.float32)
    light_direction_z = jax.random.normal(k2, (L, 1), dtype=jnp.float32)
    light_intensity = jax.random.uniform(k3, (L, 1), dtype=jnp.float32) + 0.5
    idx = jax.random.randint(k4, (B,), 0, L, dtype=jnp.int64 if jax.config.jax_enable_x64 else jnp.int32)
    return {
        "light_direction_xy": light_direction_xy,
        "light_direction_z": light_direction_z,
        "light_intensity": light_intensity,
        "idx": idx,
        "num_rays": NUM_RAYS,
    }


def reference(light_direction_xy, light_direction_z, light_intensity, idx, num_rays):
    num_rays_residual = (jnp.asarray(num_rays) - NUM_RAYS).astype(jnp.float32)
    # Gather per-light params (embedding lookup)
    ld_xy = jnp.take(light_direction_xy, idx, axis=0)          # [B, 2]
    ld_z = -jnp.abs(jnp.take(light_direction_z, idx, axis=0))  # [B, 1]
    out_ld = jnp.concatenate([ld_xy, ld_z], axis=-1)           # [B, 3]
    # F.normalize(p=2, dim=-1): x / max(||x||_2, eps)
    norm = jnp.linalg.norm(out_ld, axis=-1, keepdims=True)
    out_ld = out_ld / jnp.maximum(norm, 1e-12)
    out_ld = out_ld[:, None, :]                                # [B, 1, 3]
    out_ld = jnp.broadcast_to(out_ld, (out_ld.shape[0], NUM_RAYS, 3))
    out_ld = out_ld.reshape(-1, 3)                             # [B*num_rays, 3]
    out_ld = out_ld + num_rays_residual

    out_li = jnp.abs(jnp.take(light_intensity, idx, axis=0))[:, None, :]  # [B, 1, 1]
    out_li = jnp.broadcast_to(out_li, (out_li.shape[0], NUM_RAYS, 3))
    out_li = out_li.reshape(-1, 3)                             # [B*num_rays, 3]
    out_li = out_li + num_rays_residual
    return (out_ld, out_li)

if __name__ == "__main__":
    import jax
    _d = setup_inputs()
    print(jax.jit(kernel)(*tuple(_d.values())))

</pallas_src>

<mosaic_0001>
#map = affine_map<(d0, d1) -> (0, 0, 0)>
#map1 = affine_map<(d0, d1) -> (0)>
module attributes {stable_mosaic.version = 14 : i64} {
  func.func @gather_kernel(%arg0: i32, %arg1: i32, %arg2: memref<1024x4x128xf32, #tpu.memory_space<hbm>>, %arg3: memref<4096xi32, #tpu.memory_space<hbm>>, %arg4: memref<4096x4x128xf32, #tpu.memory_space<hbm>>, %arg5: memref<128xi32, #tpu.memory_space<vmem>>, %arg6: memref<128x4x128xf32, #tpu.memory_space<vmem>>, %arg7: memref<1024x4x128xf32, #tpu.memory_space<vmem_shared>>, %arg8: memref<!tpu.dma_semaphore, #tpu.memory_space<semaphore_mem>>) attributes {dimension_semantics = [#tpu.dimension_semantics<core_parallel>, #tpu.dimension_semantics<subcore_parallel>], iteration_bounds = array<i64: 2, 16>, scalar_prefetch = 0 : i64, scratch_operands = 4 : i64, tpu.core_type = #tpu.core_type<sc_vector_subcore>, window_params = [{transform_indices = #map}, {transform_indices = #map1}, {transform_indices = #map}]} {
    %mul3A = arith.constant 2 : i32
    %mul3A_0 = arith.muli %arg1, %mul3A : i32
    %add3A = arith.addi %mul3A_0, %arg0 : i32
    %mul3A_1 = arith.constant 128 : i32
    %mul3A_2 = arith.muli %add3A, %mul3A_1 : i32
    %mul3A_3 = arith.constant 64 : i32
    %mul3A_4 = arith.muli %arg1, %mul3A_3 : i32
    "tpu.region"() ({
      %run_scoped3A = tpu.sem_alloc : memref<!tpu.dma_semaphore, #tpu.memory_space<semaphore_mem>>
      %dma_start3A_11 = arith.constant 0 : i32
      %dma_start3A_12 = arith.constant 0 : i32
      %dma_start3A_13 = tpu.memref_slice %arg7[%mul3A_4, %dma_start3A_11, %dma_start3A_12] : memref<1024x4x128xf32, #tpu.memory_space<vmem_shared>> -> memref<64x4x128xf32, #tpu.memory_space<vmem_shared>>
      %dma_start3A_14 = arith.constant 0 : i32
      %dma_start3A_15 = arith.constant 0 : i32
      %dma_start3A_16 = tpu.memref_slice %arg2[%mul3A_4, %dma_start3A_14, %dma_start3A_15] : memref<1024x4x128xf32, #tpu.memory_space<hbm>> -> memref<64x4x128xf32, #tpu.memory_space<hbm>>
      tpu.enqueue_dma source(%dma_start3A_16 : memref<64x4x128xf32, #tpu.memory_space<hbm>>) target(%dma_start3A_13 : memref<64x4x128xf32, #tpu.memory_space<vmem_shared>>) target_semaphore(%run_scoped3A : memref<!tpu.dma_semaphore, #tpu.memory_space<semaphore_mem>>)
      %dma_wait3A_17 = arith.constant 0 : i32
      %dma_wait3A_18 = arith.constant 0 : i32
      %dma_wait3A_19 = tpu.memref_slice %arg7[%mul3A_4, %dma_wait3A_17, %dma_wait3A_18] : memref<1024x4x128xf32, #tpu.memory_space<vmem_shared>> -> memref<64x4x128xf32, #tpu.memory_space<vmem_shared>>
      %dma_wait3A_20 = arith.constant 0 : i32
      %dma_wait3A_21 = arith.constant 0 : i32
      %dma_wait3A_22 = tpu.memref_slice %arg2[%mul3A_4, %dma_wait3A_20, %dma_wait3A_21] : memref<1024x4x128xf32, #tpu.memory_space<hbm>> -> memref<64x4x128xf32, #tpu.memory_space<hbm>>
      tpu.wait_dma2 semaphore(%run_scoped3A : memref<!tpu.dma_semaphore, #tpu.memory_space<semaphore_mem>>) src(%dma_wait3A_22 : memref<64x4x128xf32, #tpu.memory_space<hbm>>) dst(%dma_wait3A_19 : memref<64x4x128xf32, #tpu.memory_space<vmem_shared>>)
      tpu.yield
    }) : () -> ()
    "tpu.region"() ({
      %run_scoped3A = tpu.sem_alloc : memref<!tpu.dma_semaphore, #tpu.memory_space<semaphore_mem>>
      %dma_start3A_11 = tpu.memref_slice %arg3[%mul3A_2] : memref<4096xi32, #tpu.memory_space<hbm>> -> memref<128xi32, #tpu.memory_space<hbm>>
      %dma_start3A_12 = tpu.memref_slice %arg3[%mul3A_2] : memref<4096xi32, #tpu.memory_space<hbm>> -> memref<128xi32, #tpu.memory_space<hbm>>
      tpu.enqueue_dma source(%dma_start3A_12 : memref<128xi32, #tpu.memory_space<hbm>>) target(%arg5 : memref<128xi32, #tpu.memory_space<vmem>>) target_semaphore(%run_scoped3A : memref<!tpu.dma_semaphore, #tpu.memory_space<semaphore_mem>>)
      %dma_wait3A_13 = tpu.memref_slice %arg3[%mul3A_2] : memref<4096xi32, #tpu.memory_space<hbm>> -> memref<128xi32, #tpu.memory_space<hbm>>
      %dma_wait3A_14 = tpu.memref_slice %arg3[%mul3A_2] : memref<4096xi32, #tpu.memory_space<hbm>> -> memref<128xi32, #tpu.memory_space<hbm>>
      tpu.wait_dma2 semaphore(%run_scoped3A : memref<!tpu.dma_semaphore, #tpu.memory_space<semaphore_mem>>) src(%dma_wait3A_14 : memref<128xi32, #tpu.memory_space<hbm>>) dst(%arg5 : memref<128xi32, #tpu.memory_space<vmem>>)
      tpu.yield
    }) : () -> ()
    %barrier3A = arith.constant 0 : index
    tpu.barrier barrier_id(%barrier3A)
    %dma_start3A = arith.constant 0 : i32
    %dma_start3A_5 = arith.constant 0 : i32
    %dma_start3A_6 = arith.constant 0 : i32
    %dma_start3A_7 = tpu.memref_slice %arg7[%dma_start3A, %dma_start3A_5, %dma_start3A_6] : memref<1024x4x128xf32, #tpu.memory_space<vmem_shared>> -> memref<1024x4x128xf32, #tpu.memory_space<vmem_shared>>
    tpu.enqueue_indirect_dma source(%dma_start3A_7 : memref<1024x4x128xf32, #tpu.memory_space<vmem_shared>>) target(%arg6 : memref<128x4x128xf32, #tpu.memory_space<vmem>>) offsets(%arg5 : memref<128xi32, #tpu.memory_space<vmem>>) semaphore(%arg8 : memref<!tpu.dma_semaphore, #tpu.memory_space<semaphore_mem>>)
    %dma_wait3A = arith.constant 0 : i32
    %dma_wait3A_8 = arith.constant 0 : i32
    %dma_wait3A_9 = arith.constant 0 : i32
    %dma_wait3A_10 = tpu.memref_slice %arg7[%dma_wait3A, %dma_wait3A_8, %dma_wait3A_9] : memref<1024x4x128xf32, #tpu.memory_space<vmem_shared>> -> memref<1024x4x128xf32, #tpu.memory_space<vmem_shared>>
    tpu.wait_indirect_dma semaphore(%arg8 : memref<!tpu.dma_semaphore, #tpu.memory_space<semaphore_mem>>) src(%dma_wait3A_10 : memref<1024x4x128xf32, #tpu.memory_space<vmem_shared>>) dst(%arg6 : memref<128x4x128xf32, #tpu.memory_space<vmem>>)
    "tpu.region"() ({
      %run_scoped3A = tpu.sem_alloc : memref<!tpu.dma_semaphore, #tpu.memory_space<semaphore_mem>>
      %dma_start3A_11 = arith.constant 0 : i32
      %dma_start3A_12 = arith.constant 0 : i32
      %dma_start3A_13 = tpu.memref_slice %arg4[%mul3A_2, %dma_start3A_11, %dma_start3A_12] : memref<4096x4x128xf32, #tpu.memory_space<hbm>> -> memref<128x4x128xf32, #tpu.memory_space<hbm>>
      %dma_start3A_14 = arith.constant 0 : i32
      %dma_start3A_15 = arith.constant 0 : i32
      %dma_start3A_16 = tpu.memref_slice %arg4[%mul3A_2, %dma_start3A_14, %dma_start3A_15] : memref<4096x4x128xf32, #tpu.memory_space<hbm>> -> memref<128x4x128xf32, #tpu.memory_space<hbm>>
      tpu.enqueue_dma source(%arg6 : memref<128x4x128xf32, #tpu.memory_space<vmem>>) target(%dma_start3A_16 : memref<128x4x128xf32, #tpu.memory_space<hbm>>) target_semaphore(%run_scoped3A : memref<!tpu.dma_semaphore, #tpu.memory_space<semaphore_mem>>)
      %dma_wait3A_17 = arith.constant 0 : i32
      %dma_wait3A_18 = arith.constant 0 : i32
      %dma_wait3A_19 = tpu.memref_slice %arg4[%mul3A_2, %dma_wait3A_17, %dma_wait3A_18] : memref<4096x4x128xf32, #tpu.memory_space<hbm>> -> memref<128x4x128xf32, #tpu.memory_space<hbm>>
      %dma_wait3A_20 = arith.constant 0 : i32
      %dma_wait3A_21 = arith.constant 0 : i32
      %dma_wait3A_22 = tpu.memref_slice %arg4[%mul3A_2, %dma_wait3A_20, %dma_wait3A_21] : memref<4096x4x128xf32, #tpu.memory_space<hbm>> -> memref<128x4x128xf32, #tpu.memory_space<hbm>>
      tpu.wait_dma2 semaphore(%run_scoped3A : memref<!tpu.dma_semaphore, #tpu.memory_space<semaphore_mem>>) src(%arg6 : memref<128x4x128xf32, #tpu.memory_space<vmem>>) dst(%dma_wait3A_22 : memref<128x4x128xf32, #tpu.memory_space<hbm>>)
      tpu.yield
    }) : () -> ()
    return
  }
}

module attributes {stable_mosaic.version = 14 : i64} {
  func.func @body(%arg0: memref<1x1xf32, #tpu.memory_space<smem>>, %arg1: memref<1024x4xf32, #tpu.memory_space<vmem>>, %arg2: memref<1024x4x128xf32, #tpu.memory_space<vmem>>) attributes {dimension_semantics = [], scalar_prefetch = 0 : i64, scratch_operands = 0 : i64, tpu.core_type = #tpu.core_type<tc>} {
    %get3A = arith.constant 0 : index
    %get3A_0 = arith.constant 0 : index
    %get3A_1 = memref.load %arg0[%get3A, %get3A_0] : memref<1x1xf32, #tpu.memory_space<smem>>
    %get3A_2 = arith.constant 0 : index
    %get3A_3 = arith.constant 0 : index
    %get3A_4 = vector.load %arg1[%get3A_2, %get3A_3] : memref<1024x4xf32, #tpu.memory_space<vmem>>, vector<1024x1xf32>
    %get3A_5 = arith.constant 0 : index
    %get3A_6 = arith.constant 1 : index
    %get3A_7 = vector.load %arg1[%get3A_5, %get3A_6] : memref<1024x4xf32, #tpu.memory_space<vmem>>, vector<1024x1xf32>
    %get3A_8 = arith.constant 0 : index
    %get3A_9 = arith.constant 2 : index
    %get3A_10 = vector.load %arg1[%get3A_8, %get3A_9] : memref<1024x4xf32, #tpu.memory_space<vmem>>, vector<1024x1xf32>
    %abs3A = math.absf %get3A_10 : vector<1024x1xf32>
    %neg3A = arith.constant 0.000000e+00 : f32
    %neg3A_11 = vector.broadcast %neg3A : f32 to vector<1024x1xf32>
    %neg3A_12 = arith.subf %neg3A_11, %abs3A : vector<1024x1xf32>
    %mul3A = arith.mulf %get3A_4, %get3A_4 : vector<1024x1xf32>
    %mul3A_13 = arith.mulf %get3A_7, %get3A_7 : vector<1024x1xf32>
    %add3A = arith.addf %mul3A, %mul3A_13 : vector<1024x1xf32>
    %mul3A_14 = arith.mulf %neg3A_12, %neg3A_12 : vector<1024x1xf32>
    %add3A_15 = arith.addf %add3A, %mul3A_14 : vector<1024x1xf32>
    %sqrt3A = math.sqrt %add3A_15 : vector<1024x1xf32>
    %max3A = arith.constant 9.99999996E-13 : f32
    %max3A_16 = vector.broadcast %max3A : f32 to vector<1024x1xf32>
    %max3A_17 = arith.maximumf %sqrt3A, %max3A_16 : vector<1024x1xf32>
    %div3A = arith.constant 1.000000e+00 : f32
    %div3A_18 = vector.broadcast %div3A : f32 to vector<1024x1xf32>
    %div3A_19 = arith.divf %div3A_18, %max3A_17 : vector<1024x1xf32>
    %mul3A_20 = arith.mulf %get3A_4, %div3A_19 : vector<1024x1xf32>
    %broadcast_in_dim3A = vector.shape_cast %mul3A_20 : vector<1024x1xf32> to vector<1024x1x1xf32>
    %broadcast_in_dim3A_21 = vector.shape_cast %broadcast_in_dim3A : vector<1024x1x1xf32> to vector<1024x1x1xf32>
    %broadcast_in_dim3A_22 = vector.broadcast %broadcast_in_dim3A_21 : vector<1024x1x1xf32> to vector<1024x1x128xf32>
    %mul3A_23 = arith.mulf %get3A_7, %div3A_19 : vector<1024x1xf32>
    %broadcast_in_dim3A_24 = vector.shape_cast %mul3A_23 : vector<1024x1xf32> to vector<1024x1x1xf32>
    %broadcast_in_dim3A_25 = vector.shape_cast %broadcast_in_dim3A_24 : vector<1024x1x1xf32> to vector<1024x1x1xf32>
    %broadcast_in_dim3A_26 = vector.broadcast %broadcast_in_dim3A_25 : vector<1024x1x1xf32> to vector<1024x1x128xf32>
    %mul3A_27 = arith.mulf %neg3A_12, %div3A_19 : vector<1024x1xf32>
    %broadcast_in_dim3A_28 = vector.shape_cast %mul3A_27 : vector<1024x1xf32> to vector<1024x1x1xf32>
    %broadcast_in_dim3A_29 = vector.shape_cast %broadcast_in_dim3A_28 : vector<1024x1x1xf32> to vector<1024x1x1xf32>
    %broadcast_in_dim3A_30 = vector.broadcast %broadcast_in_dim3A_29 : vector<1024x1x1xf32> to vector<1024x1x128xf32>
    %concatenate3A = tpu.concatenate %broadcast_in_dim3A_22, %broadcast_in_dim3A_26, %broadcast_in_dim3A_30, %broadcast_in_dim3A_30 in 1 : vector<1024x1x128xf32>, vector<1024x1x128xf32>, vector<1024x1x128xf32>, vector<1024x1x128xf32> -> vector<1024x4x128xf32>
    %add3A_31 = vector.broadcast %get3A_1 : f32 to vector<1024x4x128xf32>
    %add3A_32 = arith.addf %concatenate3A, %add3A_31 : vector<1024x4x128xf32>
    %swap3A = arith.constant 0 : index
    %swap3A_33 = arith.constant 0 : index
    %swap3A_34 = arith.constant 0 : index
    %swap3A_35 = vector.load %arg2[%swap3A, %swap3A_33, %swap3A_34] : memref<1024x4x128xf32, #tpu.memory_space<vmem>>, vector<1024x4x128xf32>
    tpu.vector_store %arg2[%swap3A, %swap3A_33, %swap3A_34], %add3A_32 {strides = array<i32>} : memref<1024x4x128xf32, #tpu.memory_space<vmem>>, vector<1024x4x128xf32>,
    return
  }
}

module attributes {stable_mosaic.version = 14 : i64} {
  func.func @body(%arg0: i32, %arg1: memref<1x1xf32, #tpu.memory_space<smem>>, %arg2: memref<1024x1xi32, #tpu.memory_space<vmem>>, %arg3: memref<1024x1xf32, #tpu.memory_space<vmem>>, %arg4: memref<1024x4x128xf32, #tpu.memory_space<vmem>>) attributes {dimension_semantics = [#tpu.dimension_semantics<arbitrary>], iteration_bounds = array<i64: 4>, scalar_prefetch = 0 : i64, scratch_operands = 0 : i64, tpu.core_type = #tpu.core_type<tc>, window_params = [{transform_indices = @transform_0, window_bounds = array<i64: 1, 1>}, {transform_indices = @transform_1, window_bounds = array<i64: 1024, 1>}, {pipeline_mode = #tpu.pipeline_mode<synchronous>, transform_indices = @transform_2, window_bounds = array<i64: 1024, 1>}, {transform_indices = @transform_3, window_bounds = array<i64: 1024, 4, 128>}]} {
    %get3A = arith.constant 0 : index
    %get3A_0 = arith.constant 0 : index
    %get3A_1 = memref.load %arg1[%get3A, %get3A_0] : memref<1x1xf32, #tpu.memory_space<smem>>
    %get3A_2 = arith.constant 0 : index
    %get3A_3 = arith.constant 0 : index
    %get3A_4 = vector.load %arg2[%get3A_2, %get3A_3] : memref<1024x1xi32, #tpu.memory_space<vmem>>, vector<1024x1xi32>
    %broadcast_in_dim3A = vector.shape_cast %get3A_4 : vector<1024x1xi32> to vector<1024x1xi32>
    %broadcast_in_dim3A_5 = vector.broadcast %broadcast_in_dim3A : vector<1024x1xi32> to vector<1024x1024xi32>
    %iota3A = tpu.iota {dimensions = array<i32: 1>} : vector<1024x1024xi32>
    %eq3A = arith.cmpi eq, %broadcast_in_dim3A_5, %iota3A : vector<1024x1024xi32>
    %jit3A = arith.constant 1.000000e+00 : f32
    %jit3A_6 = arith.constant 0.000000e+00 : f32
    %broadcast_in_dim3A_7 = vector.broadcast %jit3A : f32 to vector<1024x1024xf32>
    %broadcast_in_dim3A_8 = vector.broadcast %jit3A_6 : f32 to vector<1024x1024xf32>
    %select_n3A = arith.select %eq3A, %broadcast_in_dim3A_7, %broadcast_in_dim3A_8 : vector<1024x1024xi1>, vector<1024x1024xf32>
    %convert_element_type3A = arith.truncf %select_n3A : vector<1024x1024xf32> to vector<1024x1024xbf16>
    %get3A_9 = arith.constant 0 : index
    %get3A_10 = arith.constant 0 : index
    %get3A_11 = vector.load %arg3[%get3A_9, %get3A_10] : memref<1024x1xf32, #tpu.memory_space<vmem>>, vector<1024x1xf32>
    %abs3A = math.absf %get3A_11 : vector<1024x1xf32>
    %convert_element_type3A_12 = arith.truncf %abs3A : vector<1024x1xf32> to vector<1024x1xbf16>
    %convert_element_type3A_13 = arith.extf %convert_element_type3A_12 : vector<1024x1xbf16> to vector<1024x1xf32>
    %sub3A = arith.subf %abs3A, %convert_element_type3A_13 : vector<1024x1xf32>
    %convert_element_type3A_14 = arith.truncf %sub3A : vector<1024x1xf32> to vector<1024x1xbf16>
    %broadcast_in_dim3A_15 = vector.shape_cast %convert_element_type3A_12 : vector<1024x1xbf16> to vector<1024x1xbf16>
    %broadcast_in_dim3A_16 = vector.broadcast %broadcast_in_dim3A_15 : vector<1024x1xbf16> to vector<1024x128xbf16>
    %dot_general3A = arith.constant dense<0.000000e+00> : vector<1024x128xf32>
    %dot_general3A_17 = tpu.matmul %convert_element_type3A, %broadcast_in_dim3A_16, %dot_general3A {dimension_numbers = #tpu.dot_dimension_numbers<[1], [0], [0], [1], [0, 0, 1, 1], [], []>, transpose_lhs_hint = false} : vector<1024x1024xbf16>, vector<1024x128xbf16>, vector<1024x128xf32> -> vector<1024x128xf32>
    %broadcast_in_dim3A_18 = vector.shape_cast %convert_element_type3A_14 : vector<1024x1xbf16> to vector<1024x1xbf16>
    %broadcast_in_dim3A_19 = vector.broadcast %broadcast_in_dim3A_18 : vector<1024x1xbf16> to vector<1024x128xbf16>
    %dot_general3A_20 = arith.constant dense<0.000000e+00> : vector<1024x128xf32>
    %dot_general3A_21 = tpu.matmul %convert_element_type3A, %broadcast_in_dim3A_19, %dot_general3A_20 {dimension_numbers = #tpu.dot_dimension_numbers<[1], [0], [0], [1], [0, 0, 1, 1], [], []>, transpose_lhs_hint = false} : vector<1024x1024xbf16>, vector<1024x128xbf16>, vector<1024x128xf32> -> vector<1024x128xf32>
    %add3A = arith.addf %dot_general3A_17, %dot_general3A_21 : vector<1024x128xf32>
    %broadcast_in_dim3A_22 = vector.shape_cast %add3A : vector<1024x128xf32> to vector<1024x1x128xf32>
    %broadcast_in_dim3A_23 = vector.shape_cast %broadcast_in_dim3A_22 : vector<1024x1x128xf32> to vector<1024x1x128xf32>
    %broadcast_in_dim3A_24 = vector.broadcast %broadcast_in_dim3A_23 : vector<1024x1x128xf32> to vector<1024x4x128xf32>
    %add3A_25 = vector.broadcast %get3A_1 : f32 to vector<1024x4x128xf32>
    %add3A_26 = arith.addf %broadcast_in_dim3A_24, %add3A_25 : vector<1024x4x128xf32>
    %swap3A = arith.constant 0 : index
    %swap3A_27 = arith.constant 0 : index
    %swap3A_28 = arith.constant 0 : index
    %swap3A_29 = vector.load %arg4[%swap3A, %swap3A_27, %swap3A_28] : memref<1024x4x128xf32, #tpu.memory_space<vmem>>, vector<1024x4x128xf32>
    tpu.vector_store %arg4[%swap3A, %swap3A_27, %swap3A_28], %add3A_26 {strides = array<i32>} : memref<1024x4x128xf32, #tpu.memory_space<vmem>>, vector<1024x4x128xf32>,
    return
  }
  func.func @transform_0(%arg0: i32) -> (i32, i32) {
    %c0_i32 = arith.constant 0 : i32
    %c0_i32_0 = arith.constant 0 : i32
    %c0_i32_1 = arith.constant 0 : i32
    return %c0_i32, %c0_i32_0 : i32, i32
  }
  func.func @transform_1(%arg0: i32) -> (i32, i32) {
    %c0_i32 = arith.constant 0 : i32
    %c0_i32_0 = arith.constant 0 : i32
    return %arg0, %c0_i32 : i32, i32
  }
  func.func @transform_2(%arg0: i32) -> (i32, i32) {
    %c0_i32 = arith.constant 0 : i32
    %c0_i32_0 = arith.constant 0 : i32
    %c0_i32_1 = arith.constant 0 : i32
    return %c0_i32, %c0_i32_0 : i32, i32
  }
  func.func @transform_3(%arg0: i32) -> (i32, i32, i32) {
    %c0_i32 = arith.constant 0 : i32
    %c0_i32_0 = arith.constant 0 : i32
    %c0_i32_1 = arith.constant 0 : i32
    return %arg0, %c0_i32, %c0_i32_0 : i32, i32, i32
  }
}

</mosaic_0001>

<sc_bundles>
// kernel: kernel.5.cloned.1.call-start
scs
__scs_entry_jumppad:
0x0: {  	(pc) =	sbr.rel $0x88, $3  }
0x1: {  	(tag) =	ssettag $0x0;
	lr =	simm.s32 $0x1  }
0x2: {  	[smem:$0x3F9C] =	sst lr;
	_ =	strace $0xD0000000  }
0x3: {  	_ = 	snop  }
0x4: {  	_ = 	snop  }
0x5: {  	_ = 	snop  }
0x6: {  	_ = 	snop  }
0x7: {  	_ = 	snop  }
__scs_overlays_trampoline_lowered:
0x8: {  	[smem:$0x3FAB] =	sst s0  }
0x9: {  	[smem:$0x3FAC] =	sst s1  }
0xa: {  	[smem:$0x3FAD] =	sst s2  }
0xb: {  	[smem:$0x3FAE] =	sst s3  }
0xc: {  	[smem:$0x3FAF] =	sst s4  }
0xd: {  	[smem:$0x3FB0] =	sst s5  }
0xe: {  	[smem:$0x3FB1] =	sst s6  }
0xf: {  	[smem:$0x3FB2] =	sst s7  }
0x10: {  	[smem:$0x3FB3] =	sst s8  }
0x11: {  	[smem:$0x3FB4] =	sst s9;
	s0 =	simm.s32 @!p0 $0x0  }
0x12: {  	s1 =	sld [smem:$0x3F9A];
	s0 =	simm.s32 @p0 $0x1  }
0x13: {  	[smem:$0x3FB5] =	sst s0;
	s0 =	simm.s32 @!p1 $0x0  }
0x14: {  	s2 =	sld [smem:$0x3F99];
	s0 =	simm.s32 @p1 $0x1  }
0x15: {  	[smem:$0x3FB6] =	sst s0;
	s0 =	simm.s32 @!p2 $0x0  }
0x16: {  	s3 =	sld [smem:$0x3FDB];
	s0 =	simm.s32 @p2 $0x1  }
0x17: {  	s4 =	simm.s32 $0x1BF5;
	[smem:$0x3FB8] =	sst s0  }
0x18: {  	s0 =	sld [smem:$0x3F9B];
	_ =	swait.ge [sflag:s4], $0x0  }
0x19: {  	s7 =	sld [smem:$0x3F9C]  }
0x1a: {  	s8 =	sadd.s32 $0xFFFFE003, lr  }
0x1b: {  	s9 =	sadd.s32 $0xFFFFFEF7, lr;
	s5 =	simm.s32 $0xFFFFFFFF;
	p2 =	slt.u32 s8, $0xFFFFF086  }
0x1c: {  	p1 =	slt.u32 s9, $0xF7A;
	s5 =	simm.s32 @!p2 $0x0  }
0x1d: {  	s5 =	simm.s32 @p1 $0x1;
	p0 =	seq.s32 s7, s2  }
0x1e: {  	s7 =	smul.u32 @!p0 $0xF7A, s2;
	p2 =	seq.s32 @!p0 s5, $0x0  }
0x1f: {  	s9 =	smul.u32 $0xF7A, s1;
	s8 =	simm.s32 @!p0 $0x1BF5;
	p2 =	por !p2, p0  }
0x20: {  	[sflag:s8] =	ssyncset.s32 @!p0 $0xFFFFF086;
	s6 =	sadd.s32 @!p0 s3, s7;
	s7 =	simm.s32 @!p0 $0x108  }
0x21: {  	s3 =	sadd.s32 s3, s9;
	s6 =	sadd.s32 @!p0 $0x88, s6;
	s7 =	simm.s32 @p2 $0x1082  }
0x22: {  	[simem:s7], [sflag:s8] =	dma.local @!p0 [hbm:s6], $0xF7A  }
0x23: {  	s9 =	sor.u32 $0xD0000000, s2;
	s6 =	simm.s32 $0x108;
	_ =	swait.ge @!p0 [sflag:s8], $0x0  }
0x24: {  	s3 =	sadd.s32 $0x88, s3;
	s6 =	simm.s32 @!p1 $0x1082;
	[sflag:s4] =	ssyncset.s32 $0xFFFFF086  }
0x25: {  	[simem:s6], [sflag:s4] =	dma.local [hbm:s3], $0xF7A  }
0x26: {  	[smem:$0x3F9C] =	sst s1;
	(tag) =	ssettag s2;
	_ =	strace s9  }
0x27: {  	s1 =	sld [smem:$0x3FAC]  }
0x28: {  	s2 =	sld [smem:$0x3FAD]  }
0x29: {  	s4 =	sld [smem:$0x3FAF]  }
0x2a: {  	p0 =	seq.s32 s5, $0x0;
	s5 =	sld [smem:$0x3FB0]  }
0x2b: {  	s6 =	sld [smem:$0x3FB1]  }
0x2c: {  	s7 =	sld [smem:$0x3FB2]  }
0x2d: {  	s3 =	simm.s32 $0x108;
	s8 =	sld [smem:$0x3FB3]  }
0x2e: {  	s3 =	simm.s32 @!p0 $0x1082;
	s9 =	sld [smem:$0x3FB4]  }
0x2f: {  	lr =	sadd.s32 s0, s3;
	s0 =	sld [smem:$0x3FAB]  }
0x30: {  	s3 =	sld [smem:$0x3FAE]  }
0x31: {  	[smem:$0x3FB7] =	sst s10  }
0x32: {  	s10 =	sld [smem:$0x3FB5];
	_ =	sdelay $0x3  }
0x33: {  	p0 =	seq.s32 s10, $0x1;
	s10 =	sld [smem:$0x3FB7];
	_ =	sdelay $0x3  }
0x34: {  	[smem:$0x3FB7] =	sst s10  }
0x35: {  	s10 =	sld [smem:$0x3FB6];
	_ =	sdelay $0x3  }
0x36: {  	p1 =	seq.s32 s10, $0x1;
	s10 =	sld [smem:$0x3FB7];
	_ =	sdelay $0x3  }
0x37: {  	[smem:$0x3FB7] =	sst s10  }
0x38: {  	s10 =	sld [smem:$0x3FB8]  }
0x39: {  	_ = 	snop;
	(pc) =	sbr.ind lr, $3  }
0x3a: {  	_ = 	snop  }
0x3b: {  	_ = 	snop  }
0x3c: {  	p2 =	seq.s32 s10, $0x1;
	s10 =	sld [smem:$0x3FB7]  }
0x3d: {  	_ =	shalt  }
0x3e: {  	_ =	shalt  }
0x3f: {  	_ =	shalt  }
0x40: {  	_ =	shalt  }
0x41: {  	_ =	shalt  }
0x42: {  	_ =	shalt  }
0x43: {  	_ =	shalt  }
0x44: {  	_ =	shalt  }
0x45: {  	_ =	shalt  }
0x46: {  	_ =	shalt  }
0x47: {  	_ =	shalt  }
0x48: {  	_ =	shalt  }
0x49: {  	_ =	shalt  }
0x4a: {  	_ =	shalt  }
0x4b: {  	_ =	shalt  }
0x4c: {  	_ =	shalt  }
0x4d: {  	_ =	shalt  }
0x4e: {  	_ =	shalt  }
0x4f: {  	_ =	shalt  }
0x50: {  	_ =	shalt  }
0x51: {  	_ =	shalt  }
0x52: {  	_ =	shalt  }
0x53: {  	_ =	shalt  }
0x54: {  	_ =	shalt  }
0x55: {  	_ =	shalt  }
0x56: {  	_ =	shalt  }
0x57: {  	_ =	shalt  }
0x58: {  	_ =	shalt  }
0x59: {  	_ =	shalt  }
0x5a: {  	_ =	shalt  }
0x5b: {  	_ =	shalt  }
0x5c: {  	_ =	shalt  }
0x5d: {  	_ =	shalt  }
0x5e: {  	_ =	shalt  }
0x5f: {  	_ =	shalt  }
0x60: {  	_ =	shalt  }
0x61: {  	_ =	shalt  }
0x62: {  	_ =	shalt  }
0x63: {  	_ =	shalt  }
0x64: {  	_ =	shalt  }
0x65: {  	_ =	shalt  }
0x66: {  	_ =	shalt  }
0x67: {  	_ =	shalt  }
0x68: {  	_ =	shalt  }
0x69: {  	_ =	shalt  }
0x6a: {  	_ =	shalt  }
0x6b: {  	_ =	shalt  }
0x6c: {  	_ =	shalt  }
0x6d: {  	_ =	shalt  }
0x6e: {  	_ =	shalt  }
0x6f: {  	_ =	shalt  }
0x70: {  	_ =	shalt  }
0x71: {  	_ =	shalt  }
0x72: {  	_ =	shalt  }
0x73: {  	_ =	shalt  }
0x74: {  	_ =	shalt  }
0x75: {  	_ =	shalt  }
0x76: {  	_ =	shalt  }
0x77: {  	_ =	shalt  }
0x78: {  	_ =	shalt  }
0x79: {  	_ =	shalt  }
0x7a: {  	_ =	shalt  }
0x7b: {  	_ =	shalt  }
0x7c: {  	_ =	shalt  }
0x7d: {  	_ =	shalt  }
0x7e: {  	_ =	shalt  }
0x7f: {  	_ =	shalt  }
0x80: {  	_ =	shalt  }
0x81: {  	_ =	shalt  }
0x82: {  	_ =	shalt  }
0x83: {  	_ =	shalt  }
0x84: {  	_ =	shalt  }
0x85: {  	_ =	shalt  }
0x86: {  	_ =	shalt  }
0x87: {  	_ =	shalt  }
.Lfunc_end0:
.L_simem_size_0:
called_computation_lowered:
.L_overlay_start_0:
0x88: {  	s2 =	sld [smem:$0x3FD9]  }
0x89: {  	s3 =	sld [smem:$0x3FFE];
	_ =	sdelay $0x1  }
0x8a: {  	s1 =	srdreg.scid  }
0x8b: {  	s0 =	sand.u32 $0x1, s1  }
0x8c: {  	s14 =	sshll.u32 s0, $0xA;
	s2 =	sadd.s32 s3, s2  }
0x8d: {  	s2 =	sadd.s32 s2, s14  }
0x8e: {  	[smem:$0x3FC3] =	sst s2  }
0x8f: {  	_ = 	snop  }
0x90: {  	s2 =	sld [smem:$0x3FD0];
	_ =	sdelay $0x2  }
0x91: {  	s4 =	simm.s32 $0xA;
	s5 =	simm.s32 $0x10;
	s15 =	sld [smem:$0x3FC6]  }
0x92: {  	[smem:s5], [sflag:s4] =	dma.local [hbm:s2], $0x1  }
0x93: {  	_ =	swait.eq [sflag:s4], $0x1  }
0x94: {  	[sflag:s4] =	ssyncset.done $0x0  }
0x95: {  	[sflag:s4] =	ssyncadd.s32 $0xFFFFFFFF  }
0x96: {  	s16 =	sld [smem:$0x10];
	(tm) =	ssettm $0x1  }
0x97: {  	s17 =	sld [smem:$0x3FFB];
	_ =	sdelay $0x3  }
0x98: {  	_ =	strace s17  }
0x99: {  	s4 =	sld [smem:$0x3FFC];
	_ =	sdelay $0x3  }
0x9a: {  	_ =	strace s4  }
0x9b: {  	s4 =	sld [smem:$0x3FFD];
	_ =	sdelay $0x3  }
0x9c: {  	_ =	strace s4  }
0x9d: {  	_ =	strace $0x8FFFFFFF  }
0x9e: {  	s18 =	sld [smem:$0x3FDB];
	_ =	sdelay $0x1  }
0x9f: {  	s19 =	simm.s32 $_scs_section_size  }
0xa0: {  	s6 =	simm.s32 $_size__tile_overlayer_lowered;
	s7 =	simm.s32 $_tile_overlayer_lowered  }
0xa1: {  	s22 =	simm.s32 $0x1BFF;
	s21 =	sshll.u32 s7, $0x1;
	s4 =	sadd.s32 s19, s18  }
0xa2: {  	s8 =	simm.s32 $0x0;
	s20 =	sshll.u32 s6, $0x1;
	s6 =	sadd.s32 s21, s4  }
0xa3: {  	[timem:s8], [sflag:s22] =	dma.local [hbm:s6], s20  }
0xa4: {  	_ =	swait.ge [sflag:s22], s20  }
0xa5: {  	s5 =	ssub.s32 $0x0, s20;
	[sflag:s22] =	ssyncset.done $0x0  }
0xa6: {  	[sflag:s22] =	ssyncadd.s32 s5;
	_ =	sdelay $0x1  }
0xa7: {  	s23 =	simm.s32 $0x1B8B  }
0xa8: {  	_ =	swait.ge [sflag:s23], $0x1  }
0xa9: {  	[sflag:s23] =	ssyncset.done $0x0  }
0xaa: {  	s25 =	simm.s32 $0x1B8E;
	s24 =	sld [smem:$0x3FFE];
	[sflag:s23] =	ssyncadd.s32 $0xFFFFFFFF  }
0xab: {  	s26 =	simm.s32 $execute0_lowered;
	[smem:$0x3FD2] =	sst s25  }
0xac: {  	s6 =	sshll.u32 s26, $0x1;
	_ =	strace $0x80000046;
	[dreg:$0x1] =	wrdreg $0xFFFFFFFF  }
0xad: {  	s28 =	simm.s32 $_size_execute0_lowered;
	s4 =	sadd.s32 s4, s6;
	[dreg:$0x0] =	wrdreg $0x0  }
0xae: {  	s6 =	sshll.u32 s28, $0x1;
	[dreg:$0x2] =	wrdreg s4  }
0xaf: {  	[dreg:$0x3] =	wrdreg s6  }
0xb0: {  	[dreg:$0x4] =	wrdreg $0xC0  }
0xb1: {  	_ =	task [dreg:s8], $0x5FFFF  }
0xb2: {  	[dreg:$0x1] =	wrdreg $0xFFFFFFFF  }
0xb3: {  	[dreg:$0x0] =	wrdreg $0x60  }
0xb4: {  	[dreg:$0x2] =	wrdreg s24  }
0xb5: {  	[dreg:$0x3] =	wrdreg s15  }
0xb6: {  	[dreg:$0x4] =	wrdreg s16  }
0xb7: {  	[dreg:$0x5] =	wrdreg $0x100800  }
0xb8: {  	[dreg:$0x6] =	wrdreg $0x9  }
0xb9: {  	_ =	task.clear_ibuf [dreg:s8], $0x7FFFF;
	_ =	strace $0x90000046  }
0xba: {  	s29 =	simm.s32 $0x9;
	_ =	strace $0x80000048  }
0xbb: {  	_ =	swait.ge [sflag:s29], $0x1  }
0xbc: {  	[sflag:s29] =	ssyncadd.s32 $0xFFFFFFFF  }
0xbd: {  	_ =	strace $0x90000048  }
0xbe: {  	_ =	sfence  }
0xbf: {  	s30 =	sld [smem:$0x0];
	_ =	sdelay $0x2  }
0xc0: {  	s31 =	sshll.u32 s1, $0xD;
	s1 =	sshrl.u32 s1, $0x2  }
0xc1: {  	s3 =	sand.u32 $0x4000, s31;
	s1 =	sadd.s32 s1, s30  }
0xc2: {  	s0 =	sor.u32 s3, s0;
	s1 =	sshll.u32 s1, $0x11  }
0xc3: {  	s0 =	sor.u32 s1, s0  }
0xc4: {  	s0 =	sadd.s32 $0x8F2B, s0  }
0xc5: {  	[sflag:s0] =	ssyncadd.remote.s32 $0x1  }
0xc6: {  	_ =	sfence.sel $0xFFFF  }
0xc7: {  	[dreg:$0x0] =	wrdreg $0xFFFFFFFF;
	(pc) =	sbr.abs _section_cstart, $3  }
0xc8: {  	[dreg:$0x1] =	wrdreg $0xFFFFFFFF  }
0xc9: {  	_ =	task.clear_ibuf [dreg:s8], $0x2FFFF;
	_ =	strace $0x9FFFFFFF  }
0xca: {  	(tm) =	ssettm $0x7FFFFFFF  }
0xcb: {  	_ =	shalt  }
tec
execute0_lowered:
.L_overlay_start_1:
0x0: {  	(tag) =	ssettag $0x1  }
0x1: {  	s4 =	rddreg [dreg:$0x0]  }
0x2: {  	s8 =	rddreg [dreg:$0x1]  }
0x3: {  	s11 =	rddreg [dreg:$0x2]  }
0x4: {  	s2 =	rddreg [dreg:$0x3]  }
0x5: {  	s0 =	rddreg [dreg:$0x4];
	s3 =	simm.s32 $0x0;
	s1 =	stileid.u32  }
0x6: {  	s6 =	srdreg.scid;
	[smem:$0x7FF] =	sst s3;
	s5 =	sshll.u32 s1, $0xC  }
0x7: {  	s9 =	sand.u32 $0x1, s6;
	s10 =	sshll.u32 s1, $0x8;
	s28 =	sshll.u32 s1, $0xF  }
0x8: {  	s30 =	sshll.u32 s1, $0x6;
	s6 =	simm.s32 $0x2;
	_ =	strace $0x80000047  }
0x9: {  	s4 =	sadd.s32 s5, s4;
	s12 =	sshll.u32 s9, $0x7;
	s29 =	sadd.s32 s28, s2  }
0xa: {  	s5 =	sor.u32 $0x1C02, s30;
	s4 =	sadd.s32 $0xC00, s4;
	s7 =	sshrl.u32 s29, $0x3  }
0xb: {  	[spmem:s7], [sflag:s5] =	dma.local [hbm:s4], $0x1000  }
0xc: {  	s12 =	sor.u32 s12, s10;
	_ =	swait.ge [sflag:s6], $0x1000  }
0xd: {  	s10 =	sshrl.u32 s12, $0x3;
	[sflag:s6] =	ssyncset.done $0x0  }
0xe: {  	s8 =	sadd.s32 s8, s10;
	[sflag:s6] =	ssyncadd.s32 $0xFFFFF000  }
0xf: {  	[tilespmem:s3], [sflag:$0x2] =	stream.linear.gather [hbm4b:s8+s3], $0x80, $0x38;
	[tilespmem:$0x18080] =	vst v63  }
0x10: {  	s13 =	ssub.s32 $0x2, s9;
	_ =	swait.ge [sflag:s6], $0x80  }
0x11: {  	s14 =	sshrl.u32 s13, $0x1;
	[sflag:s6] =	ssyncset.done $0x0  }
0x12: {  	s9 =	simm.s32 $0x80;
	s13 =	ssub.s32 s13, s14;
	[sflag:s6] =	ssyncadd.s32 $0xFFFFFF80  }
0x13: {  	s10 =	simm.s32 $0x1;
	s31 =	smax.u32 s13, $0x1;
	[bflag:$0x0] =	sbarrier.arrive $0xFFFF  }
0x14: {  	[tilespmem:s9], [sflag:$0x1] =	stream.indirect.gather [spmem:s2], $0x200, s3, s9, $0xb8;
	[tilespmem:$0x18080] =	vst v63  }
0x15: {  	p0 =	sne.s32 s31, $0x1;
	_ =	swait.ge [sflag:s10], $0x10000  }
.Ltmp0:
0x16: {  	s12 =	sshll.u32 s12, $0x6;
	[sflag:s10] =	ssyncset.done $0x0;
	(pc) =	sbr.rel @!p0 .LBB2_2-.Ltmp0, $4  }
0x17: {  	s11 =	sadd.s32 s11, s12;
	[sflag:s10] =	ssyncadd.s32 $0xFFFF0000  }
0x18: {  	[hbm4b:s11+s3] =	stream.linear.scatter [tilespmem:s9], [sflag:$0x2], $0x10000, $0x38;
	[tilespmem:$0x18080] =	vst v63  }
0x19: {  	_ =	swait.ge [sflag:s6], $0x10000  }
0x1a: {  	s12 =	sadd.s32 $0xFFFFFFFF, s31;
	[sflag:s6] =	ssyncset.done $0x0  }
.LBB2_1:
0x1b: {  	p0 =	sne.s32 s12, $0x1;
	s12 =	sadd.s32 $0xFFFFFFFF, s12;
	[sflag:s6] =	ssyncadd.s32 $0xFFFF0000  }
0x1c: {  	[spmem:s7], [sflag:s5] =	dma.local [hbm:s4], $0x1000  }
0x1d: {  	_ =	swait.ge [sflag:s6], $0x1000  }
0x1e: {  	[sflag:s6] =	ssyncset.done $0x0  }
0x1f: {  	[sflag:s6] =	ssyncadd.s32 $0xFFFFF000  }
0x20: {  	[tilespmem:s3], [sflag:$0x2] =	stream.linear.gather [hbm4b:s8+s3], $0x80, $0x38;
	[tilespmem:$0x18080] =	vst v63  }
0x21: {  	_ =	swait.ge [sflag:s6], $0x80  }
0x22: {  	[sflag:s6] =	ssyncset.done $0x0  }
0x23: {  	[sflag:s6] =	ssyncadd.s32 $0xFFFFFF80  }
0x24: {  	[bflag:$0x0] =	sbarrier.arrive $0xFFFF  }
0x25: {  	[tilespmem:s9], [sflag:$0x1] =	stream.indirect.gather [spmem:s2], $0x200, s3, s9, $0xb8;
	[tilespmem:$0x18080] =	vst v63  }
0x26: {  	_ =	swait.ge [sflag:s10], $0x10000  }
.Ltmp1:
0x27: {  	[sflag:s10] =	ssyncset.done $0x0;
	(pc) =	sbr.rel @p0 .LBB2_1-.Ltmp1, $4  }
0x28: {  	[sflag:s10] =	ssyncadd.s32 $0xFFFF0000  }
0x29: {  	[hbm4b:s11+s3] =	stream.linear.scatter [tilespmem:s9], [sflag:$0x2], $0x10000, $0x38;
	[tilespmem:$0x18080] =	vst v63  }
0x2a: {  	_ =	swait.ge [sflag:s6], $0x10000  }
0x2b: {  	[sflag:s6] =	ssyncset.done $0x0  }
.LBB2_2:
0x2c: {  	[sflag:s6] =	ssyncadd.s32 $0xFFFF0000  }
0x2d: {  	_ =	sfence.sel $0x180000  }
0x2e: {  	[bflag:$0x0] =	sbarrier.arrive $0xFFFF  }
0x2f: {  	p0 =	sne.s32 s1, $0x0;
	_ =	strace $0x90000047  }
0x30: {  	s0 =	sadd.s32 @!p0 $0x100000, s0;
	[bflag:$0x2] =	sbarrier.arrive $0xFFFF  }
0x31: {  	[sflag:s0] =	ssyncadd.tile.s32 @!p0 $0x1;
	_ =	shalt  }
.Lfunc_end2:
_tile_overlayer_lowered:
.L_overlay_start_2:
0x32: {  	(tag) =	ssettag $0x2  }
0x33: {  	s0 =	rddreg [dreg:$0x0];
	s2 =	stileid.u32  }
0x34: {  	s1 =	rddreg [dreg:$0x1];
	p0 =	sne.s32 s2, $0x0  }
0x35: {  	s3 =	rddreg [dreg:$0x2];
	[bflag:$0x3] =	sbarrier.arrive $0xFFFF;
	s2 =	simm.s32 @!p0 $0x1C02  }
0x36: {  	[timem:s3], [sflag:s2] =	dma.local @!p0 [hbm:s0], s1  }
0x37: {  	s0 =	simm.s32 @!p0 $0x2  }
0x38: {  	_ =	swait.ge @!p0 [sflag:s0], s1  }
0x39: {  	s1 =	ssub.s32 @!p0 $0x0, s1;
	[sflag:s0] =	ssyncset.done @!p0 $0x0  }
0x3a: {  	[sflag:s0] =	ssyncadd.s32 @!p0 s1  }
0x3b: {  	[bflag:$0x3] =	sbarrier.arrive $0xFFFF  }
0x3c: {  	_ =	shalt  }

</sc_bundles>
